<compile_context>
chip_gen: v7x
topology: tpu7x:2x2x1
jax: 0.10.2.dev20260603
libtpu: 0.0.44.dev20260713+nightly
codegen_flags: <defaults>
</compile_context>

<pallas_src>
import functools

import jax
import jax.numpy as jnp
from jax import lax
from jax.experimental import pallas as pl
from jax.experimental.pallas import tpu as pltpu
from jax.experimental.pallas import tpu_sc as plsc

_N_NODES = 50000
_N_EDGES = 1600000
_N_UNARY = 8
_N_BINARY = 2

_NC = 2
_NS = 16
_NW = _NC * _NS

_B_PER_W = _N_EDGES // _NW
_CHUNK = 200
_NCHUNK = _B_PER_W // _CHUNK
_NBUF = 4
_NGROUP = _NCHUNK // _NBUF
_NTAIL = _NCHUNK - _NGROUP * _NBUF

_U_GRID = 25
_U_BLOCK = _N_NODES // _U_GRID


def _sc_copy_binary(b_hbm, bo_hbm, b0, b1, b2, b3, sem_in, sem_out):
    wid = lax.axis_index("s") * _NC + lax.axis_index("c")
    base = wid * _B_PER_W
    bufs = (b0, b1, b2, b3)

    def in_copy(c, buf):
        return pltpu.make_async_copy(
            b_hbm.at[pl.ds(base + c * _CHUNK, _CHUNK)], buf, sem_in
        )

    def out_copy(c, buf):
        return pltpu.make_async_copy(
            buf, bo_hbm.at[pl.ds(base + c * _CHUNK, _CHUNK)], sem_out
        )

    for b in range(_NBUF):
        in_copy(b, bufs[b]).start()

    def group(g, carry):
        for b in range(_NBUF):
            c = g * _NBUF + b
            in_copy(c, bufs[b]).wait()
            out_copy(c, bufs[b]).start()

        @pl.when(g < _NGROUP - 1)
        def _():
            for b in range(_NBUF):
                c = g * _NBUF + b
                out_copy(c, bufs[b]).wait()
                in_copy(c + _NBUF, bufs[b]).start()

        @pl.when(g == _NGROUP - 1)
        def _():
            for b in range(_NBUF):
                out_copy(g * _NBUF + b, bufs[b]).wait()

        return carry

    lax.fori_loop(0, _NGROUP, group, 0)

    for t in range(_NTAIL):
        c = _NGROUP * _NBUF + t
        in_copy(c, bufs[t]).start()
    for t in range(_NTAIL):
        c = _NGROUP * _NBUF + t
        in_copy(c, bufs[t]).wait()
        out_copy(c, bufs[t]).start()
    for t in range(_NTAIL):
        out_copy(_NGROUP * _NBUF + t, bufs[t]).wait()


def _tc_copy_unary(u_ref, uo_ref):
    uo_ref[...] = u_ref[...]


def kernel(unary, binary, index1, index2):
    mesh = plsc.VectorSubcoreMesh(core_axis_name="c", subcore_axis_name="s")
    run = functools.partial(
        pl.kernel,
        mesh=mesh,
        out_type=jax.ShapeDtypeStruct(binary.shape, binary.dtype),
        scratch_types=[
            pltpu.VMEM((_CHUNK, _N_BINARY), jnp.float32),
            pltpu.VMEM((_CHUNK, _N_BINARY), jnp.float32),
            pltpu.VMEM((_CHUNK, _N_BINARY), jnp.float32),
            pltpu.VMEM((_CHUNK, _N_BINARY), jnp.float32),
            pltpu.SemaphoreType.DMA,
            pltpu.SemaphoreType.DMA,
        ],
        compiler_params=pltpu.CompilerParams(use_tc_tiling_on_sc=True),
    )(_sc_copy_binary)
    bo = run(binary)

    uo = pl.pallas_call(
        _tc_copy_unary,
        grid=(_U_GRID,),
        in_specs=[pl.BlockSpec((_U_BLOCK, _N_UNARY), lambda i: (i, 0))],
        out_specs=pl.BlockSpec((_U_BLOCK, _N_UNARY), lambda i: (i, 0)),
        out_shape=jax.ShapeDtypeStruct(unary.shape, unary.dtype),
        compiler_params=pltpu.CompilerParams(
            dimension_semantics=("arbitrary",),
        ),
    )(unary)
    return (uo, bo)

# --- scband reference (transcript-rebuilt; emitter-appended) ---
"""Pipeline reference for scband-relational-kenn-16217796510109 (READ-ONLY COPY).

The authoritative reference and input builder live on the scoring server;
editing this copy changes nothing except your own understanding.
"""

import jax, jax.numpy as jnp
import numpy as np

N_NODES = 50000
N_EDGES = 1600000
N_UNARY = 8
N_BINARY = 2


def setup_inputs(seed: int = 0) -> dict:
    key = jax.random.key(seed)
    k1, k2, k3, k4 = jax.random.split(key, 4)
    unary = jax.random.normal(k1, (N_NODES, N_UNARY), dtype=jnp.float32)
    binary = jax.random.normal(k2, (N_EDGES, N_BINARY), dtype=jnp.float32)
    index1 = jax.random.randint(k3, (N_EDGES, N_UNARY), 0, N_NODES, dtype=jnp.int64 if jax.config.jax_enable_x64 else jnp.int32)
    index2 = jax.random.randint(k4, (N_EDGES, N_UNARY), 0, N_NODES, dtype=jnp.int64 if jax.config.jax_enable_x64 else jnp.int32)
    return {"unary": unary, "binary": binary, "index1": index1, "index2": index2}


def reference(unary, binary, index1, index2):
    # RelationalKenn with empty unary_clauses and empty binary_clauses:
    #   - unary branch skipped -> u = unary
    #   - binary branch skipped -> delta_up = zeros_like(u), delta_bp = zeros_like(binary)
    #   - activation is identity (default lambda x: x)
    u = unary
    delta_up = jnp.zeros(u.shape, dtype=u.dtype)
    delta_bp = jnp.zeros(binary.shape, dtype=binary.dtype)
    return (u + delta_up, binary + delta_bp)

if __name__ == "__main__":
    import jax
    _d = setup_inputs()
    print(jax.jit(kernel)(*tuple(_d.values())))

</pallas_src>

<mosaic_0001>
#map = affine_map<(d0, d1) -> (0, 0)>
module attributes {stable_mosaic.version = 14 : i64} {
  func.func @_sc_copy_binary(%arg0: i32, %arg1: i32, %arg2: memref<1600000x2xf32, #tpu.memory_space<hbm>>, %arg3: memref<1600000x2xf32, #tpu.memory_space<hbm>>, %arg4: memref<200x2xf32, #tpu.memory_space<vmem>>, %arg5: memref<200x2xf32, #tpu.memory_space<vmem>>, %arg6: memref<200x2xf32, #tpu.memory_space<vmem>>, %arg7: memref<200x2xf32, #tpu.memory_space<vmem>>, %arg8: memref<!tpu.dma_semaphore, #tpu.memory_space<semaphore_mem>>, %arg9: memref<!tpu.dma_semaphore, #tpu.memory_space<semaphore_mem>>) attributes {dimension_semantics = [#tpu.dimension_semantics<core_parallel>, #tpu.dimension_semantics<subcore_parallel>], iteration_bounds = array<i64: 2, 16>, scalar_prefetch = 0 : i64, scratch_operands = 6 : i64, tpu.core_type = #tpu.core_type<sc_vector_subcore>, window_params = [{transform_indices = #map}, {transform_indices = #map}]} {
    %mul3A = arith.constant 2 : i32
    %mul3A_0 = arith.muli %arg1, %mul3A : i32
    %add3A = arith.addi %mul3A_0, %arg0 : i32
    %mul3A_1 = arith.constant 50000 : i32
    %mul3A_2 = arith.muli %add3A, %mul3A_1 : i32
    %add3A_3 = arith.constant 0 : i32
    %add3A_4 = arith.addi %mul3A_2, %add3A_3 : i32
    %dma_start3A = arith.constant 0 : i32
    %dma_start3A_5 = tpu.memref_slice %arg2[%add3A_4, %dma_start3A] : memref<1600000x2xf32, #tpu.memory_space<hbm>> -> memref<200x2xf32, #tpu.memory_space<hbm>>
    %dma_start3A_6 = arith.constant 0 : i32
    %dma_start3A_7 = tpu.memref_slice %arg2[%add3A_4, %dma_start3A_6] : memref<1600000x2xf32, #tpu.memory_space<hbm>> -> memref<200x2xf32, #tpu.memory_space<hbm>>
    tpu.enqueue_dma source(%dma_start3A_7 : memref<200x2xf32, #tpu.memory_space<hbm>>) target(%arg4 : memref<200x2xf32, #tpu.memory_space<vmem>>) target_semaphore(%arg8 : memref<!tpu.dma_semaphore, #tpu.memory_space<semaphore_mem>>)
    %add3A_8 = arith.constant 200 : i32
    %add3A_9 = arith.addi %mul3A_2, %add3A_8 : i32
    %dma_start3A_10 = arith.constant 0 : i32
    %dma_start3A_11 = tpu.memref_slice %arg2[%add3A_9, %dma_start3A_10] : memref<1600000x2xf32, #tpu.memory_space<hbm>> -> memref<200x2xf32, #tpu.memory_space<hbm>>
    %dma_start3A_12 = arith.constant 0 : i32
    %dma_start3A_13 = tpu.memref_slice %arg2[%add3A_9, %dma_start3A_12] : memref<1600000x2xf32, #tpu.memory_space<hbm>> -> memref<200x2xf32, #tpu.memory_space<hbm>>
    tpu.enqueue_dma source(%dma_start3A_13 : memref<200x2xf32, #tpu.memory_space<hbm>>) target(%arg5 : memref<200x2xf32, #tpu.memory_space<vmem>>) target_semaphore(%arg8 : memref<!tpu.dma_semaphore, #tpu.memory_space<semaphore_mem>>)
    %add3A_14 = arith.constant 400 : i32
    %add3A_15 = arith.addi %mul3A_2, %add3A_14 : i32
    %dma_start3A_16 = arith.constant 0 : i32
    %dma_start3A_17 = tpu.memref_slice %arg2[%add3A_15, %dma_start3A_16] : memref<1600000x2xf32, #tpu.memory_space<hbm>> -> memref<200x2xf32, #tpu.memory_space<hbm>>
    %dma_start3A_18 = arith.constant 0 : i32
    %dma_start3A_19 = tpu.memref_slice %arg2[%add3A_15, %dma_start3A_18] : memref<1600000x2xf32, #tpu.memory_space<hbm>> -> memref<200x2xf32, #tpu.memory_space<hbm>>
    tpu.enqueue_dma source(%dma_start3A_19 : memref<200x2xf32, #tpu.memory_space<hbm>>) target(%arg6 : memref<200x2xf32, #tpu.memory_space<vmem>>) target_semaphore(%arg8 : memref<!tpu.dma_semaphore, #tpu.memory_space<semaphore_mem>>)
    %add3A_20 = arith.constant 600 : i32
    %add3A_21 = arith.addi %mul3A_2, %add3A_20 : i32
    %dma_start3A_22 = arith.constant 0 : i32
    %dma_start3A_23 = tpu.memref_slice %arg2[%add3A_21, %dma_start3A_22] : memref<1600000x2xf32, #tpu.memory_space<hbm>> -> memref<200x2xf32, #tpu.memory_space<hbm>>
    %dma_start3A_24 = arith.constant 0 : i32
    %dma_start3A_25 = tpu.memref_slice %arg2[%add3A_21, %dma_start3A_24] : memref<1600000x2xf32, #tpu.memory_space<hbm>> -> memref<200x2xf32, #tpu.memory_space<hbm>>
    tpu.enqueue_dma source(%dma_start3A_25 : memref<200x2xf32, #tpu.memory_space<hbm>>) target(%arg7 : memref<200x2xf32, #tpu.memory_space<vmem>>) target_semaphore(%arg8 : memref<!tpu.dma_semaphore, #tpu.memory_space<semaphore_mem>>)
    %scan3A = arith.constant 0 : i32
    %scan3A_26 = arith.constant 0 : i32
    %scan3A_27 = arith.constant 62 : i32
    %scan3A_28 = arith.addi %scan3A_26, %scan3A_27 : i32
    %scan3A_29 = arith.constant 1 : i32
    scf.for %scan3A_78 = %scan3A_26 to %scan3A_28 step %scan3A_29  : i32 {
      %mul3A_79 = arith.constant 4 : i32
      %mul3A_80 = arith.muli %scan3A_78, %mul3A_79 : i32
      %add3A_81 = arith.constant 0 : i32
      %add3A_82 = arith.addi %mul3A_80, %add3A_81 : i32
      %mul3A_83 = arith.constant 200 : i32
      %mul3A_84 = arith.muli %add3A_82, %mul3A_83 : i32
      %add3A_85 = arith.addi %mul3A_2, %mul3A_84 : i32
      %dma_wait3A_86 = arith.constant 0 : i32
      %dma_wait3A_87 = tpu.memref_slice %arg2[%add3A_85, %dma_wait3A_86] : memref<1600000x2xf32, #tpu.memory_space<hbm>> -> memref<200x2xf32, #tpu.memory_space<hbm>>
      %dma_wait3A_88 = arith.constant 0 : i32
      %dma_wait3A_89 = tpu.memref_slice %arg2[%add3A_85, %dma_wait3A_88] : memref<1600000x2xf32, #tpu.memory_space<hbm>> -> memref<200x2xf32, #tpu.memory_space<hbm>>
      tpu.wait_dma2 semaphore(%arg8 : memref<!tpu.dma_semaphore, #tpu.memory_space<semaphore_mem>>) src(%dma_wait3A_89 : memref<200x2xf32, #tpu.memory_space<hbm>>) dst(%arg4 : memref<200x2xf32, #tpu.memory_space<vmem>>)
      %mul3A_90 = arith.constant 200 : i32
      %mul3A_91 = arith.muli %add3A_82, %mul3A_90 : i32
      %add3A_92 = arith.addi %mul3A_2, %mul3A_91 : i32
      %dma_start3A_93 = arith.constant 0 : i32
      %dma_start3A_94 = tpu.memref_slice %arg3[%add3A_92, %dma_start3A_93] : memref<1600000x2xf32, #tpu.memory_space<hbm>> -> memref<200x2xf32, #tpu.memory_space<hbm>>
      %dma_start3A_95 = arith.constant 0 : i32
      %dma_start3A_96 = tpu.memref_slice %arg3[%add3A_92, %dma_start3A_95] : memref<1600000x2xf32, #tpu.memory_space<hbm>> -> memref<200x2xf32, #tpu.memory_space<hbm>>
      tpu.enqueue_dma source(%arg4 : memref<200x2xf32, #tpu.memory_space<vmem>>) target(%dma_start3A_96 : memref<200x2xf32, #tpu.memory_space<hbm>>) target_semaphore(%arg9 : memref<!tpu.dma_semaphore, #tpu.memory_space<semaphore_mem>>)
      %mul3A_97 = arith.constant 4 : i32
      %mul3A_98 = arith.muli %scan3A_78, %mul3A_97 : i32
      %add3A_99 = arith.constant 1 : i32
      %add3A_100 = arith.addi %mul3A_98, %add3A_99 : i32
      %mul3A_101 = arith.constant 200 : i32
      %mul3A_102 = arith.muli %add3A_100, %mul3A_101 : i32
      %add3A_103 = arith.addi %mul3A_2, %mul3A_102 : i32
      %dma_wait3A_104 = arith.constant 0 : i32
      %dma_wait3A_105 = tpu.memref_slice %arg2[%add3A_103, %dma_wait3A_104] : memref<1600000x2xf32, #tpu.memory_space<hbm>> -> memref<200x2xf32, #tpu.memory_space<hbm>>
      %dma_wait3A_106 = arith.constant 0 : i32
      %dma_wait3A_107 = tpu.memref_slice %arg2[%add3A_103, %dma_wait3A_106] : memref<1600000x2xf32, #tpu.memory_space<hbm>> -> memref<200x2xf32, #tpu.memory_space<hbm>>
      tpu.wait_dma2 semaphore(%arg8 : memref<!tpu.dma_semaphore, #tpu.memory_space<semaphore_mem>>) src(%dma_wait3A_107 : memref<200x2xf32, #tpu.memory_space<hbm>>) dst(%arg5 : memref<200x2xf32, #tpu.memory_space<vmem>>)
      %mul3A_108 = arith.constant 200 : i32
      %mul3A_109 = arith.muli %add3A_100, %mul3A_108 : i32
      %add3A_110 = arith.addi %mul3A_2, %mul3A_109 : i32
      %dma_start3A_111 = arith.constant 0 : i32
      %dma_start3A_112 = tpu.memref_slice %arg3[%add3A_110, %dma_start3A_111] : memref<1600000x2xf32, #tpu.memory_space<hbm>> -> memref<200x2xf32, #tpu.memory_space<hbm>>
      %dma_start3A_113 = arith.constant 0 : i32
      %dma_start3A_114 = tpu.memref_slice %arg3[%add3A_110, %dma_start3A_113] : memref<1600000x2xf32, #tpu.memory_space<hbm>> -> memref<200x2xf32, #tpu.memory_space<hbm>>
      tpu.enqueue_dma source(%arg5 : memref<200x2xf32, #tpu.memory_space<vmem>>) target(%dma_start3A_114 : memref<200x2xf32, #tpu.memory_space<hbm>>) target_semaphore(%arg9 : memref<!tpu.dma_semaphore, #tpu.memory_space<semaphore_mem>>)
      %mul3A_115 = arith.constant 4 : i32
      %mul3A_116 = arith.muli %scan3A_78, %mul3A_115 : i32
      %add3A_117 = arith.constant 2 : i32
      %add3A_118 = arith.addi %mul3A_116, %add3A_117 : i32
      %mul3A_119 = arith.constant 200 : i32
      %mul3A_120 = arith.muli %add3A_118, %mul3A_119 : i32
      %add3A_121 = arith.addi %mul3A_2, %mul3A_120 : i32
      %dma_wait3A_122 = arith.constant 0 : i32
      %dma_wait3A_123 = tpu.memref_slice %arg2[%add3A_121, %dma_wait3A_122] : memref<1600000x2xf32, #tpu.memory_space<hbm>> -> memref<200x2xf32, #tpu.memory_space<hbm>>
      %dma_wait3A_124 = arith.constant 0 : i32
      %dma_wait3A_125 = tpu.memref_slice %arg2[%add3A_121, %dma_wait3A_124] : memref<1600000x2xf32, #tpu.memory_space<hbm>> -> memref<200x2xf32, #tpu.memory_space<hbm>>
      tpu.wait_dma2 semaphore(%arg8 : memref<!tpu.dma_semaphore, #tpu.memory_space<semaphore_mem>>) src(%dma_wait3A_125 : memref<200x2xf32, #tpu.memory_space<hbm>>) dst(%arg6 : memref<200x2xf32, #tpu.memory_space<vmem>>)
      %mul3A_126 = arith.constant 200 : i32
      %mul3A_127 = arith.muli %add3A_118, %mul3A_126 : i32
      %add3A_128 = arith.addi %mul3A_2, %mul3A_127 : i32
      %dma_start3A_129 = arith.constant 0 : i32
      %dma_start3A_130 = tpu.memref_slice %arg3[%add3A_128, %dma_start3A_129] : memref<1600000x2xf32, #tpu.memory_space<hbm>> -> memref<200x2xf32, #tpu.memory_space<hbm>>
      %dma_start3A_131 = arith.constant 0 : i32
      %dma_start3A_132 = tpu.memref_slice %arg3[%add3A_128, %dma_start3A_131] : memref<1600000x2xf32, #tpu.memory_space<hbm>> -> memref<200x2xf32, #tpu.memory_space<hbm>>
      tpu.enqueue_dma source(%arg6 : memref<200x2xf32, #tpu.memory_space<vmem>>) target(%dma_start3A_132 : memref<200x2xf32, #tpu.memory_space<hbm>>) target_semaphore(%arg9 : memref<!tpu.dma_semaphore, #tpu.memory_space<semaphore_mem>>)
      %mul3A_133 = arith.constant 4 : i32
      %mul3A_134 = arith.muli %scan3A_78, %mul3A_133 : i32
      %add3A_135 = arith.constant 3 : i32
      %add3A_136 = arith.addi %mul3A_134, %add3A_135 : i32
      %mul3A_137 = arith.constant 200 : i32
      %mul3A_138 = arith.muli %add3A_136, %mul3A_137 : i32
      %add3A_139 = arith.addi %mul3A_2, %mul3A_138 : i32
      %dma_wait3A_140 = arith.constant 0 : i32
      %dma_wait3A_141 = tpu.memref_slice %arg2[%add3A_139, %dma_wait3A_140] : memref<1600000x2xf32, #tpu.memory_space<hbm>> -> memref<200x2xf32, #tpu.memory_space<hbm>>
      %dma_wait3A_142 = arith.constant 0 : i32
      %dma_wait3A_143 = tpu.memref_slice %arg2[%add3A_139, %dma_wait3A_142] : memref<1600000x2xf32, #tpu.memory_space<hbm>> -> memref<200x2xf32, #tpu.memory_space<hbm>>
      tpu.wait_dma2 semaphore(%arg8 : memref<!tpu.dma_semaphore, #tpu.memory_space<semaphore_mem>>) src(%dma_wait3A_143 : memref<200x2xf32, #tpu.memory_space<hbm>>) dst(%arg7 : memref<200x2xf32, #tpu.memory_space<vmem>>)
      %mul3A_144 = arith.constant 200 : i32
      %mul3A_145 = arith.muli %add3A_136, %mul3A_144 : i32
      %add3A_146 = arith.addi %mul3A_2, %mul3A_145 : i32
      %dma_start3A_147 = arith.constant 0 : i32
      %dma_start3A_148 = tpu.memref_slice %arg3[%add3A_146, %dma_start3A_147] : memref<1600000x2xf32, #tpu.memory_space<hbm>> -> memref<200x2xf32, #tpu.memory_space<hbm>>
      %dma_start3A_149 = arith.constant 0 : i32
      %dma_start3A_150 = tpu.memref_slice %arg3[%add3A_146, %dma_start3A_149] : memref<1600000x2xf32, #tpu.memory_space<hbm>> -> memref<200x2xf32, #tpu.memory_space<hbm>>
      tpu.enqueue_dma source(%arg7 : memref<200x2xf32, #tpu.memory_space<vmem>>) target(%dma_start3A_150 : memref<200x2xf32, #tpu.memory_space<hbm>>) target_semaphore(%arg9 : memref<!tpu.dma_semaphore, #tpu.memory_space<semaphore_mem>>)
      %lt3A = arith.constant 61 : i32
      %lt3A_151 = arith.cmpi slt, %scan3A_78, %lt3A : i32
      %convert_element_type3A = arith.extui %lt3A_151 : i1 to i32
      %cond3A = arith.constant 0 : i32
      %cond3A_152 = arith.cmpi ne, %convert_element_type3A, %cond3A : i32
      scf.if %cond3A_152 {
        %mul3A_157 = arith.constant 4 : i32
        %mul3A_158 = arith.muli %scan3A_78, %mul3A_157 : i32
        %add3A_159 = arith.constant 0 : i32
        %add3A_160 = arith.addi %mul3A_158, %add3A_159 : i32
        %mul3A_161 = arith.constant 200 : i32
        %mul3A_162 = arith.muli %add3A_160, %mul3A_161 : i32
        %add3A_163 = arith.addi %mul3A_2, %mul3A_162 : i32
        %dma_wait3A_164 = arith.constant 0 : i32
        %dma_wait3A_165 = tpu.memref_slice %arg3[%add3A_163, %dma_wait3A_164] : memref<1600000x2xf32, #tpu.memory_space<hbm>> -> memref<200x2xf32, #tpu.memory_space<hbm>>
        %dma_wait3A_166 = arith.constant 0 : i32
        %dma_wait3A_167 = tpu.memref_slice %arg3[%add3A_163, %dma_wait3A_166] : memref<1600000x2xf32, #tpu.memory_space<hbm>> -> memref<200x2xf32, #tpu.memory_space<hbm>>
        tpu.wait_dma2 semaphore(%arg9 : memref<!tpu.dma_semaphore, #tpu.memory_space<semaphore_mem>>) src(%arg4 : memref<200x2xf32, #tpu.memory_space<vmem>>) dst(%dma_wait3A_167 : memref<200x2xf32, #tpu.memory_space<hbm>>)
        %add3A_168 = arith.constant 4 : i32
        %add3A_169 = arith.addi %add3A_160, %add3A_168 : i32
        %mul3A_170 = arith.constant 200 : i32
        %mul3A_171 = arith.muli %add3A_169, %mul3A_170 : i32
        %add3A_172 = arith.addi %mul3A_2, %mul3A_171 : i32
        %dma_start3A_173 = arith.constant 0 : i32
        %dma_start3A_174 = tpu.memref_slice %arg2[%add3A_172, %dma_start3A_173] : memref<1600000x2xf32, #tpu.memory_space<hbm>> -> memref<200x2xf32, #tpu.memory_space<hbm>>
        %dma_start3A_175 = arith.constant 0 : i32
        %dma_start3A_176 = tpu.memref_slice %arg2[%add3A_172, %dma_start3A_175] : memref<1600000x2xf32, #tpu.memory_space<hbm>> -> memref<200x2xf32, #tpu.memory_space<hbm>>
        tpu.enqueue_dma source(%dma_start3A_176 : memref<200x2xf32, #tpu.memory_space<hbm>>) target(%arg4 : memref<200x2xf32, #tpu.memory_space<vmem>>) target_semaphore(%arg8 : memref<!tpu.dma_semaphore, #tpu.memory_space<semaphore_mem>>)
        %mul3A_177 = arith.constant 4 : i32
        %mul3A_178 = arith.muli %scan3A_78, %mul3A_177 : i32
        %add3A_179 = arith.constant 1 : i32
        %add3A_180 = arith.addi %mul3A_178, %add3A_179 : i32
        %mul3A_181 = arith.constant 200 : i32
        %mul3A_182 = arith.muli %add3A_180, %mul3A_181 : i32
        %add3A_183 = arith.addi %mul3A_2, %mul3A_182 : i32
        %dma_wait3A_184 = arith.constant 0 : i32
        %dma_wait3A_185 = tpu.memref_slice %arg3[%add3A_183, %dma_wait3A_184] : memref<1600000x2xf32, #tpu.memory_space<hbm>> -> memref<200x2xf32, #tpu.memory_space<hbm>>
        %dma_wait3A_186 = arith.constant 0 : i32
        %dma_wait3A_187 = tpu.memref_slice %arg3[%add3A_183, %dma_wait3A_186] : memref<1600000x2xf32, #tpu.memory_space<hbm>> -> memref<200x2xf32, #tpu.memory_space<hbm>>
        tpu.wait_dma2 semaphore(%arg9 : memref<!tpu.dma_semaphore, #tpu.memory_space<semaphore_mem>>) src(%arg5 : memref<200x2xf32, #tpu.memory_space<vmem>>) dst(%dma_wait3A_187 : memref<200x2xf32, #tpu.memory_space<hbm>>)
        %add3A_188 = arith.constant 4 : i32
        %add3A_189 = arith.addi %add3A_180, %add3A_188 : i32
        %mul3A_190 = arith.constant 200 : i32
        %mul3A_191 = arith.muli %add3A_189, %mul3A_190 : i32
        %add3A_192 = arith.addi %mul3A_2, %mul3A_191 : i32
        %dma_start3A_193 = arith.constant 0 : i32
        %dma_start3A_194 = tpu.memref_slice %arg2[%add3A_192, %dma_start3A_193] : memref<1600000x2xf32, #tpu.memory_space<hbm>> -> memref<200x2xf32, #tpu.memory_space<hbm>>
        %dma_start3A_195 = arith.constant 0 : i32
        %dma_start3A_196 = tpu.memref_slice %arg2[%add3A_192, %dma_start3A_195] : memref<1600000x2xf32, #tpu.memory_space<hbm>> -> memref<200x2xf32, #tpu.memory_space<hbm>>
        tpu.enqueue_dma source(%dma_start3A_196 : memref<200x2xf32, #tpu.memory_space<hbm>>) target(%arg5 : memref<200x2xf32, #tpu.memory_space<vmem>>) target_semaphore(%arg8 : memref<!tpu.dma_semaphore, #tpu.memory_space<semaphore_mem>>)
        %mul3A_197 = arith.constant 4 : i32
        %mul3A_198 = arith.muli %scan3A_78, %mul3A_197 : i32
        %add3A_199 = arith.constant 2 : i32
        %add3A_200 = arith.addi %mul3A_198, %add3A_199 : i32
        %mul3A_201 = arith.constant 200 : i32
        %mul3A_202 = arith.muli %add3A_200, %mul3A_201 : i32
        %add3A_203 = arith.addi %mul3A_2, %mul3A_202 : i32
        %dma_wait3A_204 = arith.constant 0 : i32
        %dma_wait3A_205 = tpu.memref_slice %arg3[%add3A_203, %dma_wait3A_204] : memref<1600000x2xf32, #tpu.memory_space<hbm>> -> memref<200x2xf32, #tpu.memory_space<hbm>>
        %dma_wait3A_206 = arith.constant 0 : i32
        %dma_wait3A_207 = tpu.memref_slice %arg3[%add3A_203, %dma_wait3A_206] : memref<1600000x2xf32, #tpu.memory_space<hbm>> -> memref<200x2xf32, #tpu.memory_space<hbm>>
        tpu.wait_dma2 semaphore(%arg9 : memref<!tpu.dma_semaphore, #tpu.memory_space<semaphore_mem>>) src(%arg6 : memref<200x2xf32, #tpu.memory_space<vmem>>) dst(%dma_wait3A_207 : memref<200x2xf32, #tpu.memory_space<hbm>>)
        %add3A_208 = arith.constant 4 : i32
        %add3A_209 = arith.addi %add3A_200, %add3A_208 : i32
        %mul3A_210 = arith.constant 200 : i32
        %mul3A_211 = arith.muli %add3A_209, %mul3A_210 : i32
        %add3A_212 = arith.addi %mul3A_2, %mul3A_211 : i32
        %dma_start3A_213 = arith.constant 0 : i32
        %dma_start3A_214 = tpu.memref_slice %arg2[%add3A_212, %dma_start3A_213] : memref<1600000x2xf32, #tpu.memory_space<hbm>> -> memref<200x2xf32, #tpu.memory_space<hbm>>
        %dma_start3A_215 = arith.constant 0 : i32
        %dma_start3A_216 = tpu.memref_slice %arg2[%add3A_212, %dma_start3A_215] : memref<1600000x2xf32, #tpu.memory_space<hbm>> -> memref<200x2xf32, #tpu.memory_space<hbm>>
        tpu.enqueue_dma source(%dma_start3A_216 : memref<200x2xf32, #tpu.memory_space<hbm>>) target(%arg6 : memref<200x2xf32, #tpu.memory_space<vmem>>) target_semaphore(%arg8 : memref<!tpu.dma_semaphore, #tpu.memory_space<semaphore_mem>>)
        %mul3A_217 = arith.constant 4 : i32
        %mul3A_218 = arith.muli %scan3A_78, %mul3A_217 : i32
        %add3A_219 = arith.constant 3 : i32
        %add3A_220 = arith.addi %mul3A_218, %add3A_219 : i32
        %mul3A_221 = arith.constant 200 : i32
        %mul3A_222 = arith.muli %add3A_220, %mul3A_221 : i32
        %add3A_223 = arith.addi %mul3A_2, %mul3A_222 : i32
        %dma_wait3A_224 = arith.constant 0 : i32
        %dma_wait3A_225 = tpu.memref_slice %arg3[%add3A_223, %dma_wait3A_224] : memref<1600000x2xf32, #tpu.memory_space<hbm>> -> memref<200x2xf32, #tpu.memory_space<hbm>>
        %dma_wait3A_226 = arith.constant 0 : i32
        %dma_wait3A_227 = tpu.memref_slice %arg3[%add3A_223, %dma_wait3A_226] : memref<1600000x2xf32, #tpu.memory_space<hbm>> -> memref<200x2xf32, #tpu.memory_space<hbm>>
        tpu.wait_dma2 semaphore(%arg9 : memref<!tpu.dma_semaphore, #tpu.memory_space<semaphore_mem>>) src(%arg7 : memref<200x2xf32, #tpu.memory_space<vmem>>) dst(%dma_wait3A_227 : memref<200x2xf32, #tpu.memory_space<hbm>>)
        %add3A_228 = arith.constant 4 : i32
        %add3A_229 = arith.addi %add3A_220, %add3A_228 : i32
        %mul3A_230 = arith.constant 200 : i32
        %mul3A_231 = arith.muli %add3A_229, %mul3A_230 : i32
        %add3A_232 = arith.addi %mul3A_2, %mul3A_231 : i32
        %dma_start3A_233 = arith.constant 0 : i32
        %dma_start3A_234 = tpu.memref_slice %arg2[%add3A_232, %dma_start3A_233] : memref<1600000x2xf32, #tpu.memory_space<hbm>> -> memref<200x2xf32, #tpu.memory_space<hbm>>
        %dma_start3A_235 = arith.constant 0 : i32
        %dma_start3A_236 = tpu.memref_slice %arg2[%add3A_232, %dma_start3A_235] : memref<1600000x2xf32, #tpu.memory_space<hbm>> -> memref<200x2xf32, #tpu.memory_space<hbm>>
        tpu.enqueue_dma source(%dma_start3A_236 : memref<200x2xf32, #tpu.memory_space<hbm>>) target(%arg7 : memref<200x2xf32, #tpu.memory_space<vmem>>) target_semaphore(%arg8 : memref<!tpu.dma_semaphore, #tpu.memory_space<semaphore_mem>>)
      } else {
      }
      %eq3A = arith.constant 61 : i32
      %eq3A_153 = arith.cmpi eq, %scan3A_78, %eq3A : i32
      %convert_element_type3A_154 = arith.extui %eq3A_153 : i1 to i32
      %cond3A_155 = arith.constant 0 : i32
      %cond3A_156 = arith.cmpi ne, %convert_element_type3A_154, %cond3A_155 : i32
      scf.if %cond3A_156 {
        %mul3A_157 = arith.constant 4 : i32
        %mul3A_158 = arith.muli %scan3A_78, %mul3A_157 : i32
        %add3A_159 = arith.constant 0 : i32
        %add3A_160 = arith.addi %mul3A_158, %add3A_159 : i32
        %mul3A_161 = arith.constant 200 : i32
        %mul3A_162 = arith.muli %add3A_160, %mul3A_161 : i32
        %add3A_163 = arith.addi %mul3A_2, %mul3A_162 : i32
        %dma_wait3A_164 = arith.constant 0 : i32
        %dma_wait3A_165 = tpu.memref_slice %arg3[%add3A_163, %dma_wait3A_164] : memref<1600000x2xf32, #tpu.memory_space<hbm>> -> memref<200x2xf32, #tpu.memory_space<hbm>>
        %dma_wait3A_166 = arith.constant 0 : i32
        %dma_wait3A_167 = tpu.memref_slice %arg3[%add3A_163, %dma_wait3A_166] : memref<1600000x2xf32, #tpu.memory_space<hbm>> -> memref<200x2xf32, #tpu.memory_space<hbm>>
        tpu.wait_dma2 semaphore(%arg9 : memref<!tpu.dma_semaphore, #tpu.memory_space<semaphore_mem>>) src(%arg4 : memref<200x2xf32, #tpu.memory_space<vmem>>) dst(%dma_wait3A_167 : memref<200x2xf32, #tpu.memory_space<hbm>>)
        %mul3A_168 = arith.constant 4 : i32
        %mul3A_169 = arith.muli %scan3A_78, %mul3A_168 : i32
        %add3A_170 = arith.constant 1 : i32
        %add3A_171 = arith.addi %mul3A_169, %add3A_170 : i32
        %mul3A_172 = arith.constant 200 : i32
        %mul3A_173 = arith.muli %add3A_171, %mul3A_172 : i32
        %add3A_174 = arith.addi %mul3A_2, %mul3A_173 : i32
        %dma_wait3A_175 = arith.constant 0 : i32
        %dma_wait3A_176 = tpu.memref_slice %arg3[%add3A_174, %dma_wait3A_175] : memref<1600000x2xf32, #tpu.memory_space<hbm>> -> memref<200x2xf32, #tpu.memory_space<hbm>>
        %dma_wait3A_177 = arith.constant 0 : i32
        %dma_wait3A_178 = tpu.memref_slice %arg3[%add3A_174, %dma_wait3A_177] : memref<1600000x2xf32, #tpu.memory_space<hbm>> -> memref<200x2xf32, #tpu.memory_space<hbm>>
        tpu.wait_dma2 semaphore(%arg9 : memref<!tpu.dma_semaphore, #tpu.memory_space<semaphore_mem>>) src(%arg5 : memref<200x2xf32, #tpu.memory_space<vmem>>) dst(%dma_wait3A_178 : memref<200x2xf32, #tpu.memory_space<hbm>>)
        %mul3A_179 = arith.constant 4 : i32
        %mul3A_180 = arith.muli %scan3A_78, %mul3A_179 : i32
        %add3A_181 = arith.constant 2 : i32
        %add3A_182 = arith.addi %mul3A_180, %add3A_181 : i32
        %mul3A_183 = arith.constant 200 : i32
        %mul3A_184 = arith.muli %add3A_182, %mul3A_183 : i32
        %add3A_185 = arith.addi %mul3A_2, %mul3A_184 : i32
        %dma_wait3A_186 = arith.constant 0 : i32
        %dma_wait3A_187 = tpu.memref_slice %arg3[%add3A_185, %dma_wait3A_186] : memref<1600000x2xf32, #tpu.memory_space<hbm>> -> memref<200x2xf32, #tpu.memory_space<hbm>>
        %dma_wait3A_188 = arith.constant 0 : i32
        %dma_wait3A_189 = tpu.memref_slice %arg3[%add3A_185, %dma_wait3A_188] : memref<1600000x2xf32, #tpu.memory_space<hbm>> -> memref<200x2xf32, #tpu.memory_space<hbm>>
        tpu.wait_dma2 semaphore(%arg9 : memref<!tpu.dma_semaphore, #tpu.memory_space<semaphore_mem>>) src(%arg6 : memref<200x2xf32, #tpu.memory_space<vmem>>) dst(%dma_wait3A_189 : memref<200x2xf32, #tpu.memory_space<hbm>>)
        %mul3A_190 = arith.constant 4 : i32
        %mul3A_191 = arith.muli %scan3A_78, %mul3A_190 : i32
        %add3A_192 = arith.constant 3 : i32
        %add3A_193 = arith.addi %mul3A_191, %add3A_192 : i32
        %mul3A_194 = arith.constant 200 : i32
        %mul3A_195 = arith.muli %add3A_193, %mul3A_194 : i32
        %add3A_196 = arith.addi %mul3A_2, %mul3A_195 : i32
        %dma_wait3A_197 = arith.constant 0 : i32
        %dma_wait3A_198 = tpu.memref_slice %arg3[%add3A_196, %dma_wait3A_197] : memref<1600000x2xf32, #tpu.memory_space<hbm>> -> memref<200x2xf32, #tpu.memory_space<hbm>>
        %dma_wait3A_199 = arith.constant 0 : i32
        %dma_wait3A_200 = tpu.memref_slice %arg3[%add3A_196, %dma_wait3A_199] : memref<1600000x2xf32, #tpu.memory_space<hbm>> -> memref<200x2xf32, #tpu.memory_space<hbm>>
        tpu.wait_dma2 semaphore(%arg9 : memref<!tpu.dma_semaphore, #tpu.memory_space<semaphore_mem>>) src(%arg7 : memref<200x2xf32, #tpu.memory_space<vmem>>) dst(%dma_wait3A_200 : memref<200x2xf32, #tpu.memory_space<hbm>>)
      } else {
      }
    }
    %scan3A_30 = arith.constant 62 : i32
    %add3A_31 = arith.constant 49600 : i32
    %add3A_32 = arith.addi %mul3A_2, %add3A_31 : i32
    %dma_start3A_33 = arith.constant 0 : i32
    %dma_start3A_34 = tpu.memref_slice %arg2[%add3A_32, %dma_start3A_33] : memref<1600000x2xf32, #tpu.memory_space<hbm>> -> memref<200x2xf32, #tpu.memory_space<hbm>>
    %dma_start3A_35 = arith.constant 0 : i32
    %dma_start3A_36 = tpu.memref_slice %arg2[%add3A_32, %dma_start3A_35] : memref<1600000x2xf32, #tpu.memory_space<hbm>> -> memref<200x2xf32, #tpu.memory_space<hbm>>
    tpu.enqueue_dma source(%dma_start3A_36 : memref<200x2xf32, #tpu.memory_space<hbm>>) target(%arg4 : memref<200x2xf32, #tpu.memory_space<vmem>>) target_semaphore(%arg8 : memref<!tpu.dma_semaphore, #tpu.memory_space<semaphore_mem>>)
    %add3A_37 = arith.constant 49800 : i32
    %add3A_38 = arith.addi %mul3A_2, %add3A_37 : i32
    %dma_start3A_39 = arith.constant 0 : i32
    %dma_start3A_40 = tpu.memref_slice %arg2[%add3A_38, %dma_start3A_39] : memref<1600000x2xf32, #tpu.memory_space<hbm>> -> memref<200x2xf32, #tpu.memory_space<hbm>>
    %dma_start3A_41 = arith.constant 0 : i32
    %dma_start3A_42 = tpu.memref_slice %arg2[%add3A_38, %dma_start3A_41] : memref<1600000x2xf32, #tpu.memory_space<hbm>> -> memref<200x2xf32, #tpu.memory_space<hbm>>
    tpu.enqueue_dma source(%dma_start3A_42 : memref<200x2xf32, #tpu.memory_space<hbm>>) target(%arg5 : memref<200x2xf32, #tpu.memory_space<vmem>>) target_semaphore(%arg8 : memref<!tpu.dma_semaphore, #tpu.memory_space<semaphore_mem>>)
    %add3A_43 = arith.constant 49600 : i32
    %add3A_44 = arith.addi %mul3A_2, %add3A_43 : i32
    %dma_wait3A = arith.constant 0 : i32
    %dma_wait3A_45 = tpu.memref_slice %arg2[%add3A_44, %dma_wait3A] : memref<1600000x2xf32, #tpu.memory_space<hbm>> -> memref<200x2xf32, #tpu.memory_space<hbm>>
    %dma_wait3A_46 = arith.constant 0 : i32
    %dma_wait3A_47 = tpu.memref_slice %arg2[%add3A_44, %dma_wait3A_46] : memref<1600000x2xf32, #tpu.memory_space<hbm>> -> memref<200x2xf32, #tpu.memory_space<hbm>>
    tpu.wait_dma2 semaphore(%arg8 : memref<!tpu.dma_semaphore, #tpu.memory_space<semaphore_mem>>) src(%dma_wait3A_47 : memref<200x2xf32, #tpu.memory_space<hbm>>) dst(%arg4 : memref<200x2xf32, #tpu.memory_space<vmem>>)
    %add3A_48 = arith.constant 49600 : i32
    %add3A_49 = arith.addi %mul3A_2, %add3A_48 : i32
    %dma_start3A_50 = arith.constant 0 : i32
    %dma_start3A_51 = tpu.memref_slice %arg3[%add3A_49, %dma_start3A_50] : memref<1600000x2xf32, #tpu.memory_space<hbm>> -> memref<200x2xf32, #tpu.memory_space<hbm>>
    %dma_start3A_52 = arith.constant 0 : i32
    %dma_start3A_53 = tpu.memref_slice %arg3[%add3A_49, %dma_start3A_52] : memref<1600000x2xf32, #tpu.memory_space<hbm>> -> memref<200x2xf32, #tpu.memory_space<hbm>>
    tpu.enqueue_dma source(%arg4 : memref<200x2xf32, #tpu.memory_space<vmem>>) target(%dma_start3A_53 : memref<200x2xf32, #tpu.memory_space<hbm>>) target_semaphore(%arg9 : memref<!tpu.dma_semaphore, #tpu.memory_space<semaphore_mem>>)
    %add3A_54 = arith.constant 49800 : i32
    %add3A_55 = arith.addi %mul3A_2, %add3A_54 : i32
    %dma_wait3A_56 = arith.constant 0 : i32
    %dma_wait3A_57 = tpu.memref_slice %arg2[%add3A_55, %dma_wait3A_56] : memref<1600000x2xf32, #tpu.memory_space<hbm>> -> memref<200x2xf32, #tpu.memory_space<hbm>>
    %dma_wait3A_58 = arith.constant 0 : i32
    %dma_wait3A_59 = tpu.memref_slice %arg2[%add3A_55, %dma_wait3A_58] : memref<1600000x2xf32, #tpu.memory_space<hbm>> -> memref<200x2xf32, #tpu.memory_space<hbm>>
    tpu.wait_dma2 semaphore(%arg8 : memref<!tpu.dma_semaphore, #tpu.memory_space<semaphore_mem>>) src(%dma_wait3A_59 : memref<200x2xf32, #tpu.memory_space<hbm>>) dst(%arg5 : memref<200x2xf32, #tpu.memory_space<vmem>>)
    %add3A_60 = arith.constant 49800 : i32
    %add3A_61 = arith.addi %mul3A_2, %add3A_60 : i32
    %dma_start3A_62 = arith.constant 0 : i32
    %dma_start3A_63 = tpu.memref_slice %arg3[%add3A_61, %dma_start3A_62] : memref<1600000x2xf32, #tpu.memory_space<hbm>> -> memref<200x2xf32, #tpu.memory_space<hbm>>
    %dma_start3A_64 = arith.constant 0 : i32
    %dma_start3A_65 = tpu.memref_slice %arg3[%add3A_61, %dma_start3A_64] : memref<1600000x2xf32, #tpu.memory_space<hbm>> -> memref<200x2xf32, #tpu.memory_space<hbm>>
    tpu.enqueue_dma source(%arg5 : memref<200x2xf32, #tpu.memory_space<vmem>>) target(%dma_start3A_65 : memref<200x2xf32, #tpu.memory_space<hbm>>) target_semaphore(%arg9 : memref<!tpu.dma_semaphore, #tpu.memory_space<semaphore_mem>>)
    %add3A_66 = arith.constant 49600 : i32
    %add3A_67 = arith.addi %mul3A_2, %add3A_66 : i32
    %dma_wait3A_68 = arith.constant 0 : i32
    %dma_wait3A_69 = tpu.memref_slice %arg3[%add3A_67, %dma_wait3A_68] : memref<1600000x2xf32, #tpu.memory_space<hbm>> -> memref<200x2xf32, #tpu.memory_space<hbm>>
    %dma_wait3A_70 = arith.constant 0 : i32
    %dma_wait3A_71 = tpu.memref_slice %arg3[%add3A_67, %dma_wait3A_70] : memref<1600000x2xf32, #tpu.memory_space<hbm>> -> memref<200x2xf32, #tpu.memory_space<hbm>>
    tpu.wait_dma2 semaphore(%arg9 : memref<!tpu.dma_semaphore, #tpu.memory_space<semaphore_mem>>) src(%arg4 : memref<200x2xf32, #tpu.memory_space<vmem>>) dst(%dma_wait3A_71 : memref<200x2xf32, #tpu.memory_space<hbm>>)
    %add3A_72 = arith.constant 49800 : i32
    %add3A_73 = arith.addi %mul3A_2, %add3A_72 : i32
    %dma_wait3A_74 = arith.constant 0 : i32
    %dma_wait3A_75 = tpu.memref_slice %arg3[%add3A_73, %dma_wait3A_74] : memref<1600000x2xf32, #tpu.memory_space<hbm>> -> memref<200x2xf32, #tpu.memory_space<hbm>>
    %dma_wait3A_76 = arith.constant 0 : i32
    %dma_wait3A_77 = tpu.memref_slice %arg3[%add3A_73, %dma_wait3A_76] : memref<1600000x2xf32, #tpu.memory_space<hbm>> -> memref<200x2xf32, #tpu.memory_space<hbm>>
    tpu.wait_dma2 semaphore(%arg9 : memref<!tpu.dma_semaphore, #tpu.memory_space<semaphore_mem>>) src(%arg5 : memref<200x2xf32, #tpu.memory_space<vmem>>) dst(%dma_wait3A_77 : memref<200x2xf32, #tpu.memory_space<hbm>>)
    return
  }
}

module attributes {stable_mosaic.version = 14 : i64} {
  func.func @_tc_copy_unary(%arg0: i32, %arg1: memref<2000x8xf32, #tpu.memory_space<vmem>>, %arg2: memref<2000x8xf32, #tpu.memory_space<vmem>>) attributes {dimension_semantics = [#tpu.dimension_semantics<arbitrary>], iteration_bounds = array<i64: 25>, scalar_prefetch = 0 : i64, scratch_operands = 0 : i64, tpu.core_type = #tpu.core_type<tc>, window_params = [{transform_indices = @transform_0, window_bounds = array<i64: 2000, 8>}, {transform_indices = @transform_1, window_bounds = array<i64: 2000, 8>}]} {
    %get3A = arith.constant 0 : index
    %get3A_0 = arith.constant 0 : index
    %get3A_1 = vector.load %arg1[%get3A, %get3A_0] : memref<2000x8xf32, #tpu.memory_space<vmem>>, vector<2000x8xf32>
    %swap3A = arith.constant 0 : index
    %swap3A_2 = arith.constant 0 : index
    %swap3A_3 = vector.load %arg2[%swap3A, %swap3A_2] : memref<2000x8xf32, #tpu.memory_space<vmem>>, vector<2000x8xf32>
    tpu.vector_store %arg2[%swap3A, %swap3A_2], %get3A_1 {strides = array<i32>} : memref<2000x8xf32, #tpu.memory_space<vmem>>, vector<2000x8xf32>,
    return
  }
  func.func @transform_0(%arg0: i32) -> (i32, i32) {
    %c0_i32 = arith.constant 0 : i32
    %c0_i32_0 = arith.constant 0 : i32
    return %arg0, %c0_i32 : i32, i32
  }
  func.func @transform_1(%arg0: i32) -> (i32, i32) {
    %c0_i32 = arith.constant 0 : i32
    %c0_i32_0 = arith.constant 0 : i32
    return %arg0, %c0_i32 : i32, i32
  }
}

</mosaic_0001>

<sc_bundles>
// kernel: kernel.4.cloned.1.call-start
scs
__scs_entry_jumppad:
0x0: {  	(pc) =	sbr.rel $0x88, $3  }
0x1: {  	(tag) =	ssettag $0x0;
	lr =	simm.s32 $0x1  }
0x2: {  	[smem:$0x3F9F] =	sst lr;
	_ =	strace $0xD0000000  }
0x3: {  	_ = 	snop  }
0x4: {  	_ = 	snop  }
0x5: {  	_ = 	snop  }
0x6: {  	_ = 	snop  }
0x7: {  	_ = 	snop  }
__scs_overlays_trampoline_lowered:
0x8: {  	[smem:$0x3FAE] =	sst s0  }
0x9: {  	[smem:$0x3FAF] =	sst s1  }
0xa: {  	[smem:$0x3FB0] =	sst s2  }
0xb: {  	[smem:$0x3FB1] =	sst s3  }
0xc: {  	[smem:$0x3FB2] =	sst s4  }
0xd: {  	[smem:$0x3FB3] =	sst s5  }
0xe: {  	[smem:$0x3FB4] =	sst s6  }
0xf: {  	[smem:$0x3FB5] =	sst s7  }
0x10: {  	[smem:$0x3FB6] =	sst s8  }
0x11: {  	[smem:$0x3FB7] =	sst s9;
	s0 =	simm.s32 @!p0 $0x0  }
0x12: {  	s1 =	sld [smem:$0x3F9D];
	s0 =	simm.s32 @p0 $0x1  }
0x13: {  	[smem:$0x3FB8] =	sst s0;
	s0 =	simm.s32 @!p1 $0x0  }
0x14: {  	s2 =	sld [smem:$0x3F9C];
	s0 =	simm.s32 @p1 $0x1  }
0x15: {  	[smem:$0x3FB9] =	sst s0;
	s0 =	simm.s32 @!p2 $0x0  }
0x16: {  	s3 =	sld [smem:$0x3FDB];
	s0 =	simm.s32 @p2 $0x1  }
0x17: {  	s4 =	simm.s32 $0x1BF5;
	[smem:$0x3FBB] =	sst s0  }
0x18: {  	s0 =	sld [smem:$0x3F9E];
	_ =	swait.ge [sflag:s4], $0x0  }
0x19: {  	s7 =	sld [smem:$0x3F9F]  }
0x1a: {  	s8 =	sadd.s32 $0xFFFFE003, lr  }
0x1b: {  	s9 =	sadd.s32 $0xFFFFFEF7, lr;
	s5 =	simm.s32 $0xFFFFFFFF;
	p2 =	slt.u32 s8, $0xFFFFF086  }
0x1c: {  	p1 =	slt.u32 s9, $0xF7A;
	s5 =	simm.s32 @!p2 $0x0  }
0x1d: {  	s5 =	simm.s32 @p1 $0x1;
	p0 =	seq.s32 s7, s2  }
0x1e: {  	s7 =	smul.u32 @!p0 $0xF7A, s2;
	p2 =	seq.s32 @!p0 s5, $0x0  }
0x1f: {  	s9 =	smul.u32 $0xF7A, s1;
	s8 =	simm.s32 @!p0 $0x1BF5;
	p2 =	por !p2, p0  }
0x20: {  	[sflag:s8] =	ssyncset.s32 @!p0 $0xFFFFF086;
	s6 =	sadd.s32 @!p0 s3, s7;
	s7 =	simm.s32 @!p0 $0x108  }
0x21: {  	s3 =	sadd.s32 s3, s9;
	s6 =	sadd.s32 @!p0 $0x88, s6;
	s7 =	simm.s32 @p2 $0x1082  }
0x22: {  	[simem:s7], [sflag:s8] =	dma.local @!p0 [hbm:s6], $0xF7A  }
0x23: {  	s9 =	sor.u32 $0xD0000000, s2;
	s6 =	simm.s32 $0x108;
	_ =	swait.ge @!p0 [sflag:s8], $0x0  }
0x24: {  	s3 =	sadd.s32 $0x88, s3;
	s6 =	simm.s32 @!p1 $0x1082;
	[sflag:s4] =	ssyncset.s32 $0xFFFFF086  }
0x25: {  	[simem:s6], [sflag:s4] =	dma.local [hbm:s3], $0xF7A  }
0x26: {  	[smem:$0x3F9F] =	sst s1;
	(tag) =	ssettag s2;
	_ =	strace s9  }
0x27: {  	s1 =	sld [smem:$0x3FAF]  }
0x28: {  	s2 =	sld [smem:$0x3FB0]  }
0x29: {  	s4 =	sld [smem:$0x3FB2]  }
0x2a: {  	p0 =	seq.s32 s5, $0x0;
	s5 =	sld [smem:$0x3FB3]  }
0x2b: {  	s6 =	sld [smem:$0x3FB4]  }
0x2c: {  	s7 =	sld [smem:$0x3FB5]  }
0x2d: {  	s3 =	simm.s32 $0x108;
	s8 =	sld [smem:$0x3FB6]  }
0x2e: {  	s3 =	simm.s32 @!p0 $0x1082;
	s9 =	sld [smem:$0x3FB7]  }
0x2f: {  	lr =	sadd.s32 s0, s3;
	s0 =	sld [smem:$0x3FAE]  }
0x30: {  	s3 =	sld [smem:$0x3FB1]  }
0x31: {  	[smem:$0x3FBA] =	sst s10  }
0x32: {  	s10 =	sld [smem:$0x3FB8];
	_ =	sdelay $0x3  }
0x33: {  	p0 =	seq.s32 s10, $0x1;
	s10 =	sld [smem:$0x3FBA];
	_ =	sdelay $0x3  }
0x34: {  	[smem:$0x3FBA] =	sst s10  }
0x35: {  	s10 =	sld [smem:$0x3FB9];
	_ =	sdelay $0x3  }
0x36: {  	p1 =	seq.s32 s10, $0x1;
	s10 =	sld [smem:$0x3FBA];
	_ =	sdelay $0x3  }
0x37: {  	[smem:$0x3FBA] =	sst s10  }
0x38: {  	s10 =	sld [smem:$0x3FBB]  }
0x39: {  	_ = 	snop;
	(pc) =	sbr.ind lr, $3  }
0x3a: {  	_ = 	snop  }
0x3b: {  	_ = 	snop  }
0x3c: {  	p2 =	seq.s32 s10, $0x1;
	s10 =	sld [smem:$0x3FBA]  }
0x3d: {  	_ =	shalt  }
0x3e: {  	_ =	shalt  }
0x3f: {  	_ =	shalt  }
0x40: {  	_ =	shalt  }
0x41: {  	_ =	shalt  }
0x42: {  	_ =	shalt  }
0x43: {  	_ =	shalt  }
0x44: {  	_ =	shalt  }
0x45: {  	_ =	shalt  }
0x46: {  	_ =	shalt  }
0x47: {  	_ =	shalt  }
0x48: {  	_ =	shalt  }
0x49: {  	_ =	shalt  }
0x4a: {  	_ =	shalt  }
0x4b: {  	_ =	shalt  }
0x4c: {  	_ =	shalt  }
0x4d: {  	_ =	shalt  }
0x4e: {  	_ =	shalt  }
0x4f: {  	_ =	shalt  }
0x50: {  	_ =	shalt  }
0x51: {  	_ =	shalt  }
0x52: {  	_ =	shalt  }
0x53: {  	_ =	shalt  }
0x54: {  	_ =	shalt  }
0x55: {  	_ =	shalt  }
0x56: {  	_ =	shalt  }
0x57: {  	_ =	shalt  }
0x58: {  	_ =	shalt  }
0x59: {  	_ =	shalt  }
0x5a: {  	_ =	shalt  }
0x5b: {  	_ =	shalt  }
0x5c: {  	_ =	shalt  }
0x5d: {  	_ =	shalt  }
0x5e: {  	_ =	shalt  }
0x5f: {  	_ =	shalt  }
0x60: {  	_ =	shalt  }
0x61: {  	_ =	shalt  }
0x62: {  	_ =	shalt  }
0x63: {  	_ =	shalt  }
0x64: {  	_ =	shalt  }
0x65: {  	_ =	shalt  }
0x66: {  	_ =	shalt  }
0x67: {  	_ =	shalt  }
0x68: {  	_ =	shalt  }
0x69: {  	_ =	shalt  }
0x6a: {  	_ =	shalt  }
0x6b: {  	_ =	shalt  }
0x6c: {  	_ =	shalt  }
0x6d: {  	_ =	shalt  }
0x6e: {  	_ =	shalt  }
0x6f: {  	_ =	shalt  }
0x70: {  	_ =	shalt  }
0x71: {  	_ =	shalt  }
0x72: {  	_ =	shalt  }
0x73: {  	_ =	shalt  }
0x74: {  	_ =	shalt  }
0x75: {  	_ =	shalt  }
0x76: {  	_ =	shalt  }
0x77: {  	_ =	shalt  }
0x78: {  	_ =	shalt  }
0x79: {  	_ =	shalt  }
0x7a: {  	_ =	shalt  }
0x7b: {  	_ =	shalt  }
0x7c: {  	_ =	shalt  }
0x7d: {  	_ =	shalt  }
0x7e: {  	_ =	shalt  }
0x7f: {  	_ =	shalt  }
0x80: {  	_ =	shalt  }
0x81: {  	_ =	shalt  }
0x82: {  	_ =	shalt  }
0x83: {  	_ =	shalt  }
0x84: {  	_ =	shalt  }
0x85: {  	_ =	shalt  }
0x86: {  	_ =	shalt  }
0x87: {  	_ =	shalt  }
.Lfunc_end0:
.L_simem_size_0:
called_computation_lowered:
.L_overlay_start_0:
0x88: {  	s2 =	sld [smem:$0x3FD9]  }
0x89: {  	s3 =	sld [smem:$0x3FFE];
	_ =	sdelay $0x1  }
0x8a: {  	s1 =	srdreg.scid  }
0x8b: {  	s0 =	sand.u32 $0x1, s1  }
0x8c: {  	s16 =	sshll.u32 s0, $0xA;
	s2 =	sadd.s32 s3, s2  }
0x8d: {  	s2 =	sadd.s32 s2, s16  }
0x8e: {  	[smem:$0x3FC6] =	sst s2  }
0x8f: {  	_ = 	snop  }
0x90: {  	(tm) =	ssettm $0x1  }
0x91: {  	s17 =	sld [smem:$0x3FFB];
	_ =	sdelay $0x3  }
0x92: {  	_ =	strace s17  }
0x93: {  	s2 =	sld [smem:$0x3FFC];
	_ =	sdelay $0x3  }
0x94: {  	_ =	strace s2  }
0x95: {  	s2 =	sld [smem:$0x3FFD];
	_ =	sdelay $0x3  }
0x96: {  	_ =	strace s2  }
0x97: {  	_ =	strace $0x8FFFFFFF  }
0x98: {  	s18 =	sld [smem:$0x3FDB];
	_ =	sdelay $0x1  }
0x99: {  	s19 =	simm.s32 $_scs_section_size  }
0x9a: {  	s4 =	simm.s32 $_size__tile_overlayer_lowered;
	s5 =	simm.s32 $_tile_overlayer_lowered  }
0x9b: {  	s22 =	simm.s32 $0x1BFF;
	s21 =	sshll.u32 s5, $0x1;
	s2 =	sadd.s32 s19, s18  }
0x9c: {  	s6 =	simm.s32 $0x0;
	s20 =	sshll.u32 s4, $0x1;
	s4 =	sadd.s32 s21, s2  }
0x9d: {  	[timem:s6], [sflag:s22] =	dma.local [hbm:s4], s20  }
0x9e: {  	_ =	swait.ge [sflag:s22], s20  }
0x9f: {  	s3 =	ssub.s32 $0x0, s20;
	[sflag:s22] =	ssyncset.done $0x0  }
0xa0: {  	[sflag:s22] =	ssyncadd.s32 s3;
	_ =	sdelay $0x1  }
0xa1: {  	s23 =	simm.s32 $0x1B8B  }
0xa2: {  	_ =	swait.ge [sflag:s23], $0x1  }
0xa3: {  	[sflag:s23] =	ssyncset.done $0x0  }
0xa4: {  	s25 =	simm.s32 $0x1B8E;
	s24 =	sld [smem:$0x3FFE];
	[sflag:s23] =	ssyncadd.s32 $0xFFFFFFFF  }
0xa5: {  	s26 =	simm.s32 $execute0_lowered;
	[smem:$0x3FD2] =	sst s25  }
0xa6: {  	s4 =	sshll.u32 s26, $0x1;
	_ =	strace $0x80000046;
	[dreg:$0x1] =	wrdreg $0xFFFFFFFF  }
0xa7: {  	s28 =	simm.s32 $_size_execute0_lowered;
	s2 =	sadd.s32 s2, s4;
	[dreg:$0x0] =	wrdreg $0x0  }
0xa8: {  	s4 =	sshll.u32 s28, $0x1;
	[dreg:$0x2] =	wrdreg s2  }
0xa9: {  	[dreg:$0x3] =	wrdreg s4  }
0xaa: {  	[dreg:$0x4] =	wrdreg $0xC0  }
0xab: {  	_ =	task [dreg:s6], $0x5FFFF  }
0xac: {  	[dreg:$0x1] =	wrdreg $0xFFFFFFFF  }
0xad: {  	[dreg:$0x0] =	wrdreg $0x60  }
0xae: {  	[dreg:$0x2] =	wrdreg s24  }
0xaf: {  	[dreg:$0x3] =	wrdreg $0x9  }
0xb0: {  	_ =	task.clear_ibuf [dreg:s6], $0x4FFFF;
	_ =	strace $0x90000046  }
0xb1: {  	s29 =	simm.s32 $0x9;
	_ =	strace $0x80000048  }
0xb2: {  	_ =	swait.ge [sflag:s29], $0x1  }
0xb3: {  	[sflag:s29] =	ssyncadd.s32 $0xFFFFFFFF  }
0xb4: {  	_ =	strace $0x90000048  }
0xb5: {  	_ =	sfence  }
0xb6: {  	s30 =	sld [smem:$0x0];
	_ =	sdelay $0x2  }
0xb7: {  	s31 =	sshll.u32 s1, $0xD;
	s1 =	sshrl.u32 s1, $0x2  }
0xb8: {  	s3 =	sand.u32 $0x4000, s31;
	s1 =	sadd.s32 s1, s30  }
0xb9: {  	s0 =	sor.u32 s3, s0;
	s1 =	sshll.u32 s1, $0x11  }
0xba: {  	s0 =	sor.u32 s1, s0  }
0xbb: {  	s0 =	sadd.s32 $0x8F2B, s0  }
0xbc: {  	[sflag:s0] =	ssyncadd.remote.s32 $0x1  }
0xbd: {  	_ =	sfence.sel $0xFFFF  }
0xbe: {  	[dreg:$0x0] =	wrdreg $0xFFFFFFFF;
	(pc) =	sbr.abs _section_cstart, $3  }
0xbf: {  	[dreg:$0x1] =	wrdreg $0xFFFFFFFF  }
0xc0: {  	_ =	task.clear_ibuf [dreg:s6], $0x2FFFF;
	_ =	strace $0x9FFFFFFF  }
0xc1: {  	(tm) =	ssettm $0x7FFFFFFF  }
tec
execute0_lowered:
.L_overlay_start_1:
0x0: {  	(tag) =	ssettag $0x1  }
0x1: {  	s1 =	srdreg.scid  }
0x2: {  	s0 =	stileid.u32;
	s3 =	rddreg [dreg:$0x0];
	s2 =	simm.s32 $0x0  }
0x3: {  	s17 =	simm.s32 $0x1;
	s18 =	simm.s32 $0x2;
	s19 =	simm.s32 $0x0  }
0x4: {  	s10 =	sand.u32 $0x1, s1;
	s4 =	sshll.u32 s0, $0x1;
	s1 =	rddreg [dreg:$0x1]  }
0x5: {  	[smem:$0x7FF] =	sst s2;
	s11 =	sadd.s32 $0x600, s3;
	s15 =	smul.u32 $0x186A00, s0  }
0x6: {  	s12 =	sadd.s32 $0x186A600, s3;
	s4 =	sor.u32 s10, s4;
	s16 =	smul.u32 $0xC3500, s10  }
0x7: {  	_ =	strace $0x80000047;
	s6 =	ssub.s32 $0x2, s10;
	s5 =	smul.u32 $0x61A800, s4  }
0x8: {  	s4 =	smul.u32 $0xC3500, s4;
	s30 =	sshrl.u32 s6, $0x1;
	s31 =	sadd.s32 s15, s11  }
0x9: {  	s15 =	sadd.s32 s15, s12;
	s13 =	ssub.s32 s6, s30;
	s8 =	sshrl.u32 s5, $0x3  }
0xa: {  	s3 =	sadd.s32 s11, s4;
	s7 =	sadd.s32 s11, s8;
	s9 =	sadd.s32 $0xC1C00, s8  }
.Ltmp0:
0xb: {  	s14 =	sadd.s32 $0xC2880, s8;
	s4 =	sadd.s32 $0xC80, s7;
	(pc) =	sbr.rel .LBB2_1-.Ltmp0, $4  }
0xc: {  	s5 =	sadd.s32 $0x1900, s7;
	s6 =	sadd.s32 $0x2580, s7;
	s7 =	sadd.s32 s11, s9  }
0xd: {  	s8 =	sadd.s32 s11, s14;
	s9 =	sadd.s32 s12, s9;
	s10 =	sadd.s32 s12, s14  }
0xe: {  	s11 =	smax.u32 s13, $0x1;
	s12 =	sadd.s32 s16, s31;
	s13 =	sadd.s32 s16, s15  }
0xf: {  	s14 =	simm.s32 $0x6400;
	s15 =	simm.s32 $0xC800;
	s16 =	simm.s32 $0x12C00  }
.LBB2_4:
0x10: {  	_ =	swait.ge [sflag:s18], $0x6400  }
0x11: {  	[sflag:s18] =	ssyncset.done $0x0  }
0x12: {  	[sflag:s18] =	ssyncadd.s32 $0xFFFF9C00  }
0x13: {  	_ =	swait.ge [sflag:s18], $0x6400  }
0x14: {  	[sflag:s18] =	ssyncset.done $0x0  }
0x15: {  	[sflag:s18] =	ssyncadd.s32 $0xFFFF9C00  }
0x16: {  	_ =	swait.ge [sflag:s18], $0x6400  }
0x17: {  	[sflag:s18] =	ssyncset.done $0x0  }
0x18: {  	[sflag:s18] =	ssyncadd.s32 $0xFFFF9C00  }
0x19: {  	[tilespmem:s2], [sflag:$0x1] =	stream.linear.gather [hbm4b:s7+s2], $0x6400, $0x38;
	[tilespmem:$0x19000] =	vst v63  }
0x1a: {  	_ = 	snop  }
0x1b: {  	[tilespmem:s14], [sflag:$0x1] =	stream.linear.gather [hbm4b:s8+s2], $0x6400, $0x38;
	[tilespmem:$0x19000] =	vst v63  }
0x1c: {  	_ =	swait.ge [sflag:s17], $0x6400  }
0x1d: {  	[sflag:s17] =	ssyncset.done $0x0  }
0x1e: {  	[sflag:s17] =	ssyncadd.s32 $0xFFFF9C00  }
0x1f: {  	[hbm4b:s9+s2] =	stream.linear.scatter [tilespmem:s2], [sflag:$0x2], $0x6400, $0x38;
	[tilespmem:$0x19000] =	vst v63  }
0x20: {  	_ =	swait.ge [sflag:s17], $0x6400  }
0x21: {  	[sflag:s17] =	ssyncset.done $0x0  }
0x22: {  	s19 =	sadd.s32 $0x1, s19;
	[sflag:s17] =	ssyncadd.s32 $0xFFFF9C00  }
0x23: {  	[hbm4b:s10+s2] =	stream.linear.scatter [tilespmem:s14], [sflag:$0x2], $0x6400, $0x38;
	[tilespmem:$0x19000] =	vst v63  }
0x24: {  	p0 =	sne.s32 s19, s11;
	_ =	swait.ge [sflag:s18], $0x6400  }
.Ltmp1:
0x25: {  	[sflag:s18] =	ssyncset.done $0x0;
	(pc) =	sbr.rel @!p0 .LBB2_5-.Ltmp1, $4  }
0x26: {  	[sflag:s18] =	ssyncadd.s32 $0xFFFF9C00  }
0x27: {  	_ =	swait.ge [sflag:s18], $0x6400  }
0x28: {  	[sflag:s18] =	ssyncset.done $0x0  }
0x29: {  	[sflag:s18] =	ssyncadd.s32 $0xFFFF9C00  }
.LBB2_1:
0x2a: {  	[tilespmem:s2], [sflag:$0x1] =	stream.linear.gather [hbm4b:s3+s2], $0x6400, $0x38;
	[tilespmem:$0x19000] =	vst v63  }
0x2b: {  	_ = 	snop  }
0x2c: {  	[tilespmem:s14], [sflag:$0x1] =	stream.linear.gather [hbm4b:s4+s2], $0x6400, $0x38;
	[tilespmem:$0x19000] =	vst v63  }
0x2d: {  	_ = 	snop  }
0x2e: {  	[tilespmem:s15], [sflag:$0x1] =	stream.linear.gather [hbm4b:s5+s2], $0x6400, $0x38;
	[tilespmem:$0x19000] =	vst v63  }
0x2f: {  	s20 =	simm.s32 $0x0  }
0x30: {  	[tilespmem:s16], [sflag:$0x1] =	stream.linear.gather [hbm4b:s6+s2], $0x6400, $0x38;
	[tilespmem:$0x19000] =	vst v63  }
.LBB2_2:
0x31: {  	_ =	swait.ge [sflag:s17], $0x6400  }
0x32: {  	[sflag:s17] =	ssyncset.done $0x0  }
0x33: {  	s21 =	sadd.s32 s20, s13;
	[sflag:s17] =	ssyncadd.s32 $0xFFFF9C00  }
0x34: {  	[hbm4b:s21+s2] =	stream.linear.scatter [tilespmem:s2], [sflag:$0x2], $0x6400, $0x38;
	[tilespmem:$0x19000] =	vst v63  }
0x35: {  	_ =	swait.ge [sflag:s17], $0x6400  }
0x36: {  	[sflag:s17] =	ssyncset.done $0x0  }
0x37: {  	s22 =	sadd.s32 $0xC80, s21;
	[sflag:s17] =	ssyncadd.s32 $0xFFFF9C00  }
0x38: {  	[hbm4b:s22+s2] =	stream.linear.scatter [tilespmem:s14], [sflag:$0x2], $0x6400, $0x38;
	[tilespmem:$0x19000] =	vst v63  }
0x39: {  	_ =	swait.ge [sflag:s17], $0x6400  }
0x3a: {  	[sflag:s17] =	ssyncset.done $0x0  }
0x3b: {  	s31 =	sadd.s32 $0x1900, s21;
	[sflag:s17] =	ssyncadd.s32 $0xFFFF9C00  }
0x3c: {  	[hbm4b:s31+s2] =	stream.linear.scatter [tilespmem:s15], [sflag:$0x2], $0x6400, $0x38;
	[tilespmem:$0x19000] =	vst v63  }
0x3d: {  	_ =	swait.ge [sflag:s17], $0x6400  }
0x3e: {  	p0 =	seq.s32 s20, $0xBEA00;
	[sflag:s17] =	ssyncset.done $0x0  }
.Ltmp2:
0x3f: {  	s21 =	sadd.s32 $0x2580, s21;
	[sflag:s17] =	ssyncadd.s32 $0xFFFF9C00;
	(pc) =	sbr.rel @p0 .LBB2_4-.Ltmp2, $4  }
0x40: {  	[hbm4b:s21+s2] =	stream.linear.scatter [tilespmem:s16], [sflag:$0x2], $0x6400, $0x38;
	[tilespmem:$0x19000] =	vst v63  }
0x41: {  	_ =	swait.ge [sflag:s18], $0x6400  }
0x42: {  	[sflag:s18] =	ssyncset.done $0x0  }
0x43: {  	[sflag:s18] =	ssyncadd.s32 $0xFFFF9C00  }
0x44: {  	s21 =	sadd.s32 s20, s12  }
0x45: {  	s22 =	sadd.s32 $0x3200, s21  }
0x46: {  	[tilespmem:s2], [sflag:$0x1] =	stream.linear.gather [hbm4b:s22+s2], $0x6400, $0x38;
	[tilespmem:$0x19000] =	vst v63  }
0x47: {  	_ =	swait.ge [sflag:s18], $0x6400  }
0x48: {  	[sflag:s18] =	ssyncset.done $0x0  }
0x49: {  	s30 =	sadd.s32 $0x3E80, s21;
	[sflag:s18] =	ssyncadd.s32 $0xFFFF9C00  }
0x4a: {  	[tilespmem:s14], [sflag:$0x1] =	stream.linear.gather [hbm4b:s30+s2], $0x6400, $0x38;
	[tilespmem:$0x19000] =	vst v63  }
0x4b: {  	_ =	swait.ge [sflag:s18], $0x6400  }
0x4c: {  	[sflag:s18] =	ssyncset.done $0x0  }
0x4d: {  	s31 =	sadd.s32 $0x4B00, s21;
	[sflag:s18] =	ssyncadd.s32 $0xFFFF9C00  }
0x4e: {  	[tilespmem:s15], [sflag:$0x1] =	stream.linear.gather [hbm4b:s31+s2], $0x6400, $0x38;
	[tilespmem:$0x19000] =	vst v63  }
.Ltmp3:
0x4f: {  	_ = 	snop;
	(pc) =	sbr.rel .LBB2_2-.Ltmp3, $4  }
0x50: {  	_ =	swait.ge [sflag:s18], $0x6400  }
0x51: {  	[sflag:s18] =	ssyncset.done $0x0  }
0x52: {  	s20 =	sadd.s32 $0x3200, s20;
	s21 =	sadd.s32 $0x5780, s21;
	[sflag:s18] =	ssyncadd.s32 $0xFFFF9C00  }
0x53: {  	[tilespmem:s16], [sflag:$0x1] =	stream.linear.gather [hbm4b:s21+s2], $0x6400, $0x38;
	[tilespmem:$0x19000] =	vst v63  }
.LBB2_5:
0x54: {  	_ =	sfence.sel $0x180000  }
0x55: {  	[bflag:$0x0] =	sbarrier.arrive $0xFFFF  }
0x56: {  	p0 =	sne.s32 s0, $0x0;
	_ =	strace $0x90000047  }
0x57: {  	s0 =	sadd.s32 @!p0 $0x100000, s1;
	[bflag:$0x2] =	sbarrier.arrive $0xFFFF  }
0x58: {  	[sflag:s0] =	ssyncadd.tile.s32 @!p0 $0x1;
	_ =	shalt  }
.Lfunc_end2:
_tile_overlayer_lowered:
.L_overlay_start_2:
0x59: {  	(tag) =	ssettag $0x2  }
0x5a: {  	s0 =	rddreg [dreg:$0x0];
	s2 =	stileid.u32  }
0x5b: {  	s1 =	rddreg [dreg:$0x1];
	p0 =	sne.s32 s2, $0x0  }
0x5c: {  	s3 =	rddreg [dreg:$0x2];
	[bflag:$0x3] =	sbarrier.arrive $0xFFFF;
	s2 =	simm.s32 @!p0 $0x1C03  }
0x5d: {  	[timem:s3], [sflag:s2] =	dma.local @!p0 [hbm:s0], s1  }
0x5e: {  	s0 =	simm.s32 @!p0 $0x3  }
0x5f: {  	_ =	swait.ge @!p0 [sflag:s0], s1  }
0x60: {  	s1 =	ssub.s32 @!p0 $0x0, s1;
	[sflag:s0] =	ssyncset.done @!p0 $0x0  }
0x61: {  	[sflag:s0] =	ssyncadd.s32 @!p0 s1  }
0x62: {  	[bflag:$0x3] =	sbarrier.arrive $0xFFFF  }
0x63: {  	_ =	shalt  }

</sc_bundles>
